<compile_context>
chip_gen: v7x
topology: tpu7x:2x2x1
jax: 0.10.2.dev20260603
libtpu: 0.0.44.dev20260713+nightly
codegen_flags: <defaults>
</compile_context>

<pallas_src>
import math

import jax
import jax.numpy as jnp
import numpy as np
from jax.experimental import pallas as pl

_DIM = 1024
_KQ = 64
_VAL = 64
_H = 16
_K = 32
_B = 2
_N = 2048

_MR = 512
_QB = 1024

_I32_MIN = np.int32(-(2 ** 31))
_I16_MIN = np.int16(-(2 ** 15))


def _matmul_bias_kernel(x_ref, w_ref, b_ref, o_ref):
    o_ref[...] = (
        jax.lax.dot_general(
            x_ref[...], w_ref[...], (((1,), (0,)), ((), ())),
            preferred_element_type=jnp.float32)
        + b_ref[...])


def _matmul_bias(x, w, b, br, bc):
    m, kdim = x.shape
    _, n = w.shape
    return pl.pallas_call(
        _matmul_bias_kernel,
        grid=(m // br, n // bc),
        in_specs=[
            pl.BlockSpec((br, kdim), lambda i, j: (i, 0)),
            pl.BlockSpec((kdim, bc), lambda i, j: (0, j)),
            pl.BlockSpec((1, bc), lambda i, j: (0, j)),
        ],
        out_specs=pl.BlockSpec((br, bc), lambda i, j: (i, j)),
        out_shape=jax.ShapeDtypeStruct((m, n), jnp.float32),
    )(x, w, b.reshape(1, n))


def _count16(mask_i16_01):
    x = mask_i16_01
    while x.shape[1] > 256:
        half = x.shape[1] // 2
        x = x[:, :half] + x[:, half:]
    return jnp.sum(x.astype(jnp.int32), axis=1, keepdims=True)


def _attn_kernel(q_ref, k_ref, v_ref, o_ref):
    q = q_ref[0, 0]
    k = k_ref[0, 0]
    v = v_ref[0, 0]
    rows = q.shape[0]
    s = jax.lax.dot_general(
        q, k, (((1,), (1,)), ((), ())),
        preferred_element_type=jnp.float32) * (1.0 / math.sqrt(_KQ))

    bits = jax.lax.bitcast_convert_type(s, jnp.int32)
    key = jnp.where(bits < 0,
                    jnp.bitwise_xor(jnp.bitwise_not(bits), _I32_MIN),
                    bits)
    khi = jax.lax.shift_right_arithmetic(key, np.int32(16)).astype(jnp.int16)
    klo = jnp.bitwise_xor(key.astype(jnp.int16), _I16_MIN)

    one16 = np.int16(1)
    zero16 = np.int16(0)

    def hi_body(i, tu):
        bit = np.int32(15) - i
        cand = jnp.bitwise_or(tu, jnp.left_shift(np.int32(1), bit))
        cand_s = jnp.bitwise_xor(cand, np.int32(0x8000)).astype(jnp.int16)
        cnt = _count16(jnp.where(khi >= cand_s, one16, zero16))
        return jnp.where(cnt >= _K, cand, tu)

    tu_hi = jax.lax.fori_loop(0, 16, hi_body,
                              jnp.zeros((rows, 1), jnp.int32))
    ts_hi = jnp.bitwise_xor(tu_hi, np.int32(0x8000)).astype(jnp.int16)

    eqhi = khi == ts_hi
    c_gt_hi = _count16(jnp.where(khi > ts_hi, one16, zero16))
    kth_lo = _K - c_gt_hi

    def lo_body(i, tu):
        bit = np.int32(15) - i
        cand = jnp.bitwise_or(tu, jnp.left_shift(np.int32(1), bit))
        cand_s = jnp.bitwise_xor(cand, np.int32(0x8000)).astype(jnp.int16)
        cnt = _count16(jnp.where(eqhi & (klo >= cand_s), one16, zero16))
        return jnp.where(cnt >= kth_lo, cand, tu)

    tu_lo = jax.lax.fori_loop(0, 16, lo_body,
                              jnp.zeros((rows, 1), jnp.int32))
    ts_lo = jnp.bitwise_xor(tu_lo, np.int32(0x8000)).astype(jnp.int16)

    gt = (khi > ts_hi) | (eqhi & (klo > ts_lo))
    eq = eqhi & (klo == ts_lo)
    cnt_gt = _count16(jnp.where(gt, one16, zero16))
    cnt_eq = _count16(jnp.where(eq, one16, zero16))
    has_tie = jnp.any(cnt_gt + cnt_eq != _K)

    need = _K - cnt_gt
    idx = jax.lax.broadcasted_iota(jnp.int32, s.shape, 1)

    def _tie_cutoff(_):
        def ibody(i, it):
            bit = np.int32(11) - i
            cand = jnp.bitwise_or(it, jnp.left_shift(np.int32(1), bit))
            c = jnp.sum((eq & (idx < cand)).astype(jnp.int32),
                        axis=1, keepdims=True)
            return jnp.where(c <= need, cand, it)
        return jax.lax.fori_loop(0, 12, ibody,
                                 jnp.zeros((rows, 1), jnp.int32))

    it = jax.lax.cond(has_tie, _tie_cutoff,
                      lambda _: jnp.full((rows, 1), np.int32(_N)),
                      operand=None)

    mask = gt | (eq & (idx < it))
    rowmax = jnp.max(s, axis=1, keepdims=True)
    e = jnp.where(mask, jnp.exp(s - rowmax), 0.0)
    p = e / jnp.sum(e, axis=1, keepdims=True)
    o_ref[0, 0] = jax.lax.dot_general(
        p, v, (((1,), (0,)), ((), ())),
        preferred_element_type=jnp.float32)


def _attention(q, k, v):
    return pl.pallas_call(
        _attn_kernel,
        grid=(_B, _H, _N // _QB),
        in_specs=[
            pl.BlockSpec((1, 1, _QB, _KQ), lambda b, h, i: (b, h, i, 0)),
            pl.BlockSpec((1, 1, _N, _KQ), lambda b, h, i: (b, h, 0, 0)),
            pl.BlockSpec((1, 1, _N, _VAL), lambda b, h, i: (b, h, 0, 0)),
        ],
        out_specs=pl.BlockSpec((1, 1, _QB, _VAL), lambda b, h, i: (b, h, i, 0)),
        out_shape=jax.ShapeDtypeStruct((_B, _H, _N, _VAL), jnp.float32),
    )(q, k, v)


def kernel(x, Wq, bq, Wk, bk, Wv, bv, Wo, bo):
    b, n, dim = x.shape
    w = jnp.concatenate([Wq, Wk, Wv], axis=1)
    bias = jnp.concatenate([bq, bk, bv], axis=0)
    qkv = _matmul_bias(x.reshape(b * n, dim), w, bias, _MR, 1024)
    qkv = qkv.reshape(b, n, 3, _H, _KQ).transpose(2, 0, 3, 1, 4)
    attn = _attention(qkv[0], qkv[1], qkv[2])
    attn = attn.transpose(0, 2, 1, 3).reshape(b * n, _H * _VAL)
    out = _matmul_bias(attn, Wo, bo, _MR, 1024)
    return out.reshape(b, n, dim)

# --- scband reference (transcript-rebuilt; emitter-appended) ---
"""Pipeline reference for scband-sparse-attention-31937376813306 (READ-ONLY COPY).

The authoritative reference and input builder live on the scoring server;
editing this copy changes nothing except your own understanding.
"""

import jax, jax.numpy as jnp
import numpy as np
import math

DIM = 1024
KQ = 64
VAL = 64
H = 16
K = 32
B = 2
N = 2048


def setup_inputs(seed: int = 0) -> dict:
    key = jax.random.key(seed)
    ks = jax.random.split(key, 9)
    x = jax.random.normal(ks[0], (B, N, DIM), dtype=jnp.float32)
    s_in = 1.0 / math.sqrt(DIM)
    Wq = jax.random.uniform(ks[1], (DIM, KQ * H), jnp.float32, -s_in, s_in)
    bq = jax.random.uniform(ks[2], (KQ * H,), jnp.float32, -s_in, s_in)
    Wk = jax.random.uniform(ks[3], (DIM, KQ * H), jnp.float32, -s_in, s_in)
    bk = jax.random.uniform(ks[4], (KQ * H,), jnp.float32, -s_in, s_in)
    Wv = jax.random.uniform(ks[5], (DIM, VAL * H), jnp.float32, -s_in, s_in)
    bv = jax.random.uniform(ks[6], (VAL * H,), jnp.float32, -s_in, s_in)
    s_o = 1.0 / math.sqrt(VAL * H)
    Wo = jax.random.uniform(ks[7], (VAL * H, DIM), jnp.float32, -s_o, s_o)
    bo = jax.random.uniform(ks[8], (DIM,), jnp.float32, -s_o, s_o)
    return {"x": x, "Wq": Wq, "bq": bq, "Wk": Wk, "bk": bk, "Wv": Wv, "bv": bv, "Wo": Wo, "bo": bo}


def reference(x, Wq, bq, Wk, bk, Wv, bv, Wo, bo):
    Bs, Ns, _ = x.shape
    # linear projections + split heads: [B, N, H*d] -> [B, H, N, d]
    q = (x @ Wq + bq).reshape(Bs, Ns, H, KQ).transpose(0, 2, 1, 3)
    k = (x @ Wk + bk).reshape(Bs, Ns, H, KQ).transpose(0, 2, 1, 3)
    v = (x @ Wv + bv).reshape(Bs, Ns, H, VAL).transpose(0, 2, 1, 3)
    # nearest-k keys per query: full scores then top-k over key axis
    scores = jnp.einsum('bhnd,bhmd->bhnm', q, k) / math.sqrt(KQ)
    _, idx = jax.lax.top_k(scores, K)  # [B, H, N, K]

    def gather_nk(t, d):
        t_flat = t.reshape(Bs * H, Ns, d)
        idx_flat = idx.reshape(Bs * H, Ns * K)
        out = jnp.take_along_axis(t_flat, idx_flat[:, :, None], axis=1)
        return out.reshape(Bs, H, Ns, K, d)

    nearest_keys = gather_nk(k, KQ)     # [B, H, N, K, KQ]
    nearest_values = gather_nk(v, VAL)  # [B, H, N, K, VAL]
    w = (q[..., None, :] * nearest_keys).sum(-1) / math.sqrt(KQ)  # [B, H, N, K]
    w = jax.nn.softmax(w, axis=-1)
    out = (w[..., None] * nearest_values).sum(axis=-2)  # [B, H, N, VAL]
    # combine heads: [B, H, N, VAL] -> [B, N, H*VAL]
    out = out.transpose(0, 2, 1, 3).reshape(Bs, Ns, H * VAL)
    return out @ Wo + bo

if __name__ == "__main__":
    import jax
    _d = setup_inputs()
    print(jax.jit(kernel)(*tuple(_d.values())))

</pallas_src>

<mosaic_0001>
module attributes {stable_mosaic.version = 14 : i64} {
  func.func @_matmul_bias_kernel(%arg0: i32, %arg1: i32, %arg2: memref<512x1024xf32, #tpu.memory_space<vmem>>, %arg3: memref<1024x1024xf32, #tpu.memory_space<vmem>>, %arg4: memref<1x1024xf32, #tpu.memory_space<vmem>>, %arg5: memref<512x1024xf32, #tpu.memory_space<vmem>>) attributes {dimension_semantics = [#tpu.dimension_semantics<arbitrary>, #tpu.dimension_semantics<arbitrary>], iteration_bounds = array<i64: 8, 3>, scalar_prefetch = 0 : i64, scratch_operands = 0 : i64, tpu.core_type = #tpu.core_type<tc>, window_params = [{transform_indices = @transform_0, window_bounds = array<i64: 512, 1024>}, {transform_indices = @transform_1, window_bounds = array<i64: 1024, 1024>}, {transform_indices = @transform_2, window_bounds = array<i64: 1, 1024>}, {transform_indices = @transform_3, window_bounds = array<i64: 512, 1024>}]} {
    %get3A = arith.constant 0 : index
    %get3A_0 = arith.constant 0 : index
    %get3A_1 = vector.load %arg2[%get3A, %get3A_0] : memref<512x1024xf32, #tpu.memory_space<vmem>>, vector<512x1024xf32>
    %get3A_2 = arith.constant 0 : index
    %get3A_3 = arith.constant 0 : index
    %get3A_4 = vector.load %arg3[%get3A_2, %get3A_3] : memref<1024x1024xf32, #tpu.memory_space<vmem>>, vector<1024x1024xf32>
    %dot_general3A = arith.constant dense<0.000000e+00> : vector<512x1024xf32>
    %dot_general3A_5 = tpu.matmul %get3A_1, %get3A_4, %dot_general3A {dimension_numbers = #tpu.dot_dimension_numbers<[1], [0], [0], [1], [0, 0, 1, 1], [], []>, transpose_lhs_hint = false} : vector<512x1024xf32>, vector<1024x1024xf32>, vector<512x1024xf32> -> vector<512x1024xf32>
    %get3A_6 = arith.constant 0 : index
    %get3A_7 = arith.constant 0 : index
    %get3A_8 = vector.load %arg4[%get3A_6, %get3A_7] : memref<1x1024xf32, #tpu.memory_space<vmem>>, vector<1x1024xf32>
    %add3A = vector.broadcast %get3A_8 : vector<1x1024xf32> to vector<512x1024xf32>
    %add3A_9 = arith.addf %dot_general3A_5, %add3A : vector<512x1024xf32>
    %swap3A = arith.constant 0 : index
    %swap3A_10 = arith.constant 0 : index
    %swap3A_11 = vector.load %arg5[%swap3A, %swap3A_10] : memref<512x1024xf32, #tpu.memory_space<vmem>>, vector<512x1024xf32>
    tpu.vector_store %arg5[%swap3A, %swap3A_10], %add3A_9 {strides = array<i32>} : memref<512x1024xf32, #tpu.memory_space<vmem>>, vector<512x1024xf32>,
    return
  }
  func.func @transform_0(%arg0: i32, %arg1: i32) -> (i32, i32) {
    %c0_i32 = arith.constant 0 : i32
    %c0_i32_0 = arith.constant 0 : i32
    return %arg0, %c0_i32 : i32, i32
  }
  func.func @transform_1(%arg0: i32, %arg1: i32) -> (i32, i32) {
    %c0_i32 = arith.constant 0 : i32
    %c0_i32_0 = arith.constant 0 : i32
    return %c0_i32, %arg1 : i32, i32
  }
  func.func @transform_2(%arg0: i32, %arg1: i32) -> (i32, i32) {
    %c0_i32 = arith.constant 0 : i32
    %c0_i32_0 = arith.constant 0 : i32
    return %c0_i32, %arg1 : i32, i32
  }
  func.func @transform_3(%arg0: i32, %arg1: i32) -> (i32, i32) {
    %c0_i32 = arith.constant 0 : i32
    return %arg0, %arg1 : i32, i32
  }
}

module attributes {stable_mosaic.version = 14 : i64} {
  func.func @_attn_kernel(%arg0: i32, %arg1: i32, %arg2: i32, %arg3: memref<1x1x1024x64xf32, #tpu.memory_space<vmem>>, %arg4: memref<1x1x2048x64xf32, #tpu.memory_space<vmem>>, %arg5: memref<1x1x2048x64xf32, #tpu.memory_space<vmem>>, %arg6: memref<1x1x1024x64xf32, #tpu.memory_space<vmem>>) attributes {dimension_semantics = [#tpu.dimension_semantics<arbitrary>, #tpu.dimension_semantics<arbitrary>, #tpu.dimension_semantics<arbitrary>], iteration_bounds = array<i64: 2, 16, 2>, scalar_prefetch = 0 : i64, scratch_operands = 0 : i64, tpu.core_type = #tpu.core_type<tc>, window_params = [{transform_indices = @transform_0, window_bounds = array<i64: 1, 1, 1024, 64>}, {transform_indices = @transform_1, window_bounds = array<i64: 1, 1, 2048, 64>}, {transform_indices = @transform_2, window_bounds = array<i64: 1, 1, 2048, 64>}, {transform_indices = @transform_3, window_bounds = array<i64: 1, 1, 1024, 64>}]} {
    %get3A = arith.constant 0 : index
    %get3A_0 = arith.constant 0 : index
    %get3A_1 = arith.constant 0 : index
    %get3A_2 = arith.constant 0 : index
    %get3A_3 = vector.load %arg3[%get3A, %get3A_0, %get3A_1, %get3A_2] : memref<1x1x1024x64xf32, #tpu.memory_space<vmem>>, vector<1x1x1024x64xf32>
    %get3A_4 = vector.shape_cast %get3A_3 : vector<1x1x1024x64xf32> to vector<1024x64xf32>
    %get3A_5 = arith.constant 0 : index
    %get3A_6 = arith.constant 0 : index
    %get3A_7 = arith.constant 0 : index
    %get3A_8 = arith.constant 0 : index
    %get3A_9 = vector.load %arg4[%get3A_5, %get3A_6, %get3A_7, %get3A_8] : memref<1x1x2048x64xf32, #tpu.memory_space<vmem>>, vector<1x1x2048x64xf32>
    %get3A_10 = vector.shape_cast %get3A_9 : vector<1x1x2048x64xf32> to vector<2048x64xf32>
    %get3A_11 = arith.constant 0 : index
    %get3A_12 = arith.constant 0 : index
    %get3A_13 = arith.constant 0 : index
    %get3A_14 = arith.constant 0 : index
    %get3A_15 = vector.load %arg5[%get3A_11, %get3A_12, %get3A_13, %get3A_14] : memref<1x1x2048x64xf32, #tpu.memory_space<vmem>>, vector<1x1x2048x64xf32>
    %get3A_16 = vector.shape_cast %get3A_15 : vector<1x1x2048x64xf32> to vector<2048x64xf32>
    %dot_general3A = arith.constant dense<0.000000e+00> : vector<1024x2048xf32>
    %dot_general3A_17 = tpu.matmul %get3A_4, %get3A_10, %dot_general3A {dimension_numbers = #tpu.dot_dimension_numbers<[1], [1], [0], [0], [0, 0, 1, 0], [], []>, transpose_lhs_hint = false} : vector<1024x64xf32>, vector<2048x64xf32>, vector<1024x2048xf32> -> vector<1024x2048xf32>
    %mul3A = arith.constant 1.250000e-01 : f32
    %mul3A_18 = vector.broadcast %mul3A : f32 to vector<1024x2048xf32>
    %mul3A_19 = arith.mulf %dot_general3A_17, %mul3A_18 : vector<1024x2048xf32>
    %bitcast_convert_type3A = tpu.bitcast %mul3A_19 : vector<1024x2048xf32> -> vector<1024x2048xi32>
    %lt3A = arith.constant 0 : i32
    %lt3A_20 = vector.broadcast %lt3A : i32 to vector<1024x2048xi32>
    %lt3A_21 = arith.cmpi slt, %bitcast_convert_type3A, %lt3A_20 : vector<1024x2048xi32>
    %not3A = arith.constant dense<-1> : vector<1024x2048xi32>
    %not3A_22 = arith.xori %bitcast_convert_type3A, %not3A : vector<1024x2048xi32>
    %xor3A = arith.constant -2147483648 : i32
    %xor3A_23 = vector.broadcast %xor3A : i32 to vector<1024x2048xi32>
    %xor3A_24 = arith.xori %not3A_22, %xor3A_23 : vector<1024x2048xi32>
    %select_n3A = arith.select %lt3A_21, %xor3A_24, %bitcast_convert_type3A : vector<1024x2048xi1>, vector<1024x2048xi32>
    %shift_right_arithmetic3A = arith.constant 16 : i32
    %shift_right_arithmetic3A_25 = vector.broadcast %shift_right_arithmetic3A : i32 to vector<1024x2048xi32>
    %shift_right_arithmetic3A_26 = arith.shrsi %select_n3A, %shift_right_arithmetic3A_25 : vector<1024x2048xi32>
    %convert_element_type3A = arith.trunci %shift_right_arithmetic3A_26 : vector<1024x2048xi32> to vector<1024x2048xi16>
    %convert_element_type3A_27 = arith.trunci %select_n3A : vector<1024x2048xi32> to vector<1024x2048xi16>
    %xor3A_28 = arith.constant -32768 : i16
    %xor3A_29 = vector.broadcast %xor3A_28 : i16 to vector<1024x2048xi16>
    %xor3A_30 = arith.xori %convert_element_type3A_27, %xor3A_29 : vector<1024x2048xi16>
    %broadcast_in_dim3A = arith.constant 0 : i32
    %broadcast_in_dim3A_31 = vector.broadcast %broadcast_in_dim3A : i32 to vector<1024x1xi32>
    %scan3A = arith.constant 0 : i32
    %scan3A_32 = arith.constant 16 : i32
    %scan3A_33 = arith.addi %scan3A, %scan3A_32 : i32
    %scan3A_34 = arith.constant 1 : i32
    %scan3A_35 = scf.for %scan3A_157 = %scan3A to %scan3A_33 step %scan3A_34 iter_args(%scan3A_158 = %broadcast_in_dim3A_31) -> (vector<1024x1xi32>)  : i32 {
      %sub3A_159 = arith.constant 15 : i32
      %sub3A_160 = arith.subi %sub3A_159, %scan3A_157 : i32
      %shift_left3A = arith.constant 1 : i32
      %shift_left3A_161 = arith.shli %shift_left3A, %sub3A_160 : i32
      %or3A_162 = vector.broadcast %shift_left3A_161 : i32 to vector<1024x1xi32>
      %or3A_163 = arith.ori %scan3A_158, %or3A_162 : vector<1024x1xi32>
      %xor3A_164 = arith.constant 32768 : i32
      %xor3A_165 = vector.broadcast %xor3A_164 : i32 to vector<1024x1xi32>
      %xor3A_166 = arith.xori %or3A_163, %xor3A_165 : vector<1024x1xi32>
      %convert_element_type3A_167 = arith.trunci %xor3A_166 : vector<1024x1xi32> to vector<1024x1xi16>
      %ge3A = vector.broadcast %convert_element_type3A_167 : vector<1024x1xi16> to vector<1024x2048xi16>
      %ge3A_168 = arith.cmpi sge, %convert_element_type3A, %ge3A : vector<1024x2048xi16>
      %jit3A_169 = arith.constant 1 : i16
      %jit3A_170 = arith.constant 0 : i16
      %broadcast_in_dim3A_171 = vector.broadcast %jit3A_169 : i16 to vector<1024x2048xi16>
      %broadcast_in_dim3A_172 = vector.broadcast %jit3A_170 : i16 to vector<1024x2048xi16>
      %select_n3A_173 = arith.select %ge3A_168, %broadcast_in_dim3A_171, %broadcast_in_dim3A_172 : vector<1024x2048xi1>, vector<1024x2048xi16>
      %slice3A_174 = vector.extract_strided_slice %select_n3A_173 {offsets = [0, 0], sizes = [1024, 1024], strides = [1, 1]} : vector<1024x2048xi16> to vector<1024x1024xi16>
      %slice3A_175 = vector.extract_strided_slice %select_n3A_173 {offsets = [0, 1024], sizes = [1024, 1024], strides = [1, 1]} : vector<1024x2048xi16> to vector<1024x1024xi16>
      %add3A_176 = arith.addi %slice3A_174, %slice3A_175 : vector<1024x1024xi16>
      %slice3A_177 = vector.extract_strided_slice %add3A_176 {offsets = [0, 0], sizes = [1024, 512], strides = [1, 1]} : vector<1024x1024xi16> to vector<1024x512xi16>
      %slice3A_178 = vector.extract_strided_slice %add3A_176 {offsets = [0, 512], sizes = [1024, 512], strides = [1, 1]} : vector<1024x1024xi16> to vector<1024x512xi16>
      %add3A_179 = arith.addi %slice3A_177, %slice3A_178 : vector<1024x512xi16>
      %slice3A_180 = vector.extract_strided_slice %add3A_179 {offsets = [0, 0], sizes = [1024, 256], strides = [1, 1]} : vector<1024x512xi16> to vector<1024x256xi16>
      %slice3A_181 = vector.extract_strided_slice %add3A_179 {offsets = [0, 256], sizes = [1024, 256], strides = [1, 1]} : vector<1024x512xi16> to vector<1024x256xi16>
      %add3A_182 = arith.addi %slice3A_180, %slice3A_181 : vector<1024x256xi16>
      %convert_element_type3A_183 = arith.extsi %add3A_182 : vector<1024x256xi16> to vector<1024x256xi32>
      %reduce_sum3A_184 = arith.constant dense<0> : vector<1024xi32>
      %reduce_sum3A_185 = vector.multi_reduction <add>, %convert_element_type3A_183, %reduce_sum3A_184 [1] : vector<1024x256xi32> to vector<1024xi32>
      %broadcast_in_dim3A_186 = vector.shape_cast %reduce_sum3A_185 : vector<1024xi32> to vector<1024x1xi32>
      %ge3A_187 = arith.constant 32 : i32
      %ge3A_188 = vector.broadcast %ge3A_187 : i32 to vector<1024x1xi32>
      %ge3A_189 = arith.cmpi sge, %broadcast_in_dim3A_186, %ge3A_188 : vector<1024x1xi32>
      %select_n3A_190 = arith.select %ge3A_189, %or3A_163, %scan3A_158 : vector<1024x1xi1>, vector<1024x1xi32>
      scf.yield %select_n3A_190 : vector<1024x1xi32>
    }
    %scan3A_36 = arith.constant 16 : i32
    %xor3A_37 = arith.constant 32768 : i32
    %xor3A_38 = vector.broadcast %xor3A_37 : i32 to vector<1024x1xi32>
    %xor3A_39 = arith.xori %scan3A_35, %xor3A_38 : vector<1024x1xi32>
    %convert_element_type3A_40 = arith.trunci %xor3A_39 : vector<1024x1xi32> to vector<1024x1xi16>
    %eq3A = vector.broadcast %convert_element_type3A_40 : vector<1024x1xi16> to vector<1024x2048xi16>
    %eq3A_41 = arith.cmpi eq, %convert_element_type3A, %eq3A : vector<1024x2048xi16>
    %gt3A = vector.broadcast %convert_element_type3A_40 : vector<1024x1xi16> to vector<1024x2048xi16>
    %gt3A_42 = arith.cmpi sgt, %convert_element_type3A, %gt3A : vector<1024x2048xi16>
    %jit3A = arith.constant 1 : i16
    %jit3A_43 = arith.constant 0 : i16
    %broadcast_in_dim3A_44 = vector.broadcast %jit3A : i16 to vector<1024x2048xi16>
    %broadcast_in_dim3A_45 = vector.broadcast %jit3A_43 : i16 to vector<1024x2048xi16>
    %select_n3A_46 = arith.select %gt3A_42, %broadcast_in_dim3A_44, %broadcast_in_dim3A_45 : vector<1024x2048xi1>, vector<1024x2048xi16>
    %slice3A = vector.extract_strided_slice %select_n3A_46 {offsets = [0, 0], sizes = [1024, 1024], strides = [1, 1]} : vector<1024x2048xi16> to vector<1024x1024xi16>
    %slice3A_47 = vector.extract_strided_slice %select_n3A_46 {offsets = [0, 1024], sizes = [1024, 1024], strides = [1, 1]} : vector<1024x2048xi16> to vector<1024x1024xi16>
    %add3A = arith.addi %slice3A, %slice3A_47 : vector<1024x1024xi16>
    %slice3A_48 = vector.extract_strided_slice %add3A {offsets = [0, 0], sizes = [1024, 512], strides = [1, 1]} : vector<1024x1024xi16> to vector<1024x512xi16>
    %slice3A_49 = vector.extract_strided_slice %add3A {offsets = [0, 512], sizes = [1024, 512], strides = [1, 1]} : vector<1024x1024xi16> to vector<1024x512xi16>
    %add3A_50 = arith.addi %slice3A_48, %slice3A_49 : vector<1024x512xi16>
    %slice3A_51 = vector.extract_strided_slice %add3A_50 {offsets = [0, 0], sizes = [1024, 256], strides = [1, 1]} : vector<1024x512xi16> to vector<1024x256xi16>
    %slice3A_52 = vector.extract_strided_slice %add3A_50 {offsets = [0, 256], sizes = [1024, 256], strides = [1, 1]} : vector<1024x512xi16> to vector<1024x256xi16>
    %add3A_53 = arith.addi %slice3A_51, %slice3A_52 : vector<1024x256xi16>
    %convert_element_type3A_54 = arith.extsi %add3A_53 : vector<1024x256xi16> to vector<1024x256xi32>
    %reduce_sum3A = arith.constant dense<0> : vector<1024xi32>
    %reduce_sum3A_55 = vector.multi_reduction <add>, %convert_element_type3A_54, %reduce_sum3A [1] : vector<1024x256xi32> to vector<1024xi32>
    %broadcast_in_dim3A_56 = vector.shape_cast %reduce_sum3A_55 : vector<1024xi32> to vector<1024x1xi32>
    %sub3A = arith.constant 32 : i32
    %sub3A_57 = vector.broadcast %sub3A : i32 to vector<1024x1xi32>
    %sub3A_58 = arith.subi %sub3A_57, %broadcast_in_dim3A_56 : vector<1024x1xi32>
    %broadcast_in_dim3A_59 = arith.constant 0 : i32
    %broadcast_in_dim3A_60 = vector.broadcast %broadcast_in_dim3A_59 : i32 to vector<1024x1xi32>
    %scan3A_61 = arith.constant 0 : i32
    %scan3A_62 = arith.constant 16 : i32
    %scan3A_63 = arith.addi %scan3A_61, %scan3A_62 : i32
    %scan3A_64 = arith.constant 1 : i32
    %scan3A_65 = scf.for %scan3A_157 = %scan3A_61 to %scan3A_63 step %scan3A_64 iter_args(%scan3A_158 = %broadcast_in_dim3A_60) -> (vector<1024x1xi32>)  : i32 {
      %sub3A_159 = arith.constant 15 : i32
      %sub3A_160 = arith.subi %sub3A_159, %scan3A_157 : i32
      %shift_left3A = arith.constant 1 : i32
      %shift_left3A_161 = arith.shli %shift_left3A, %sub3A_160 : i32
      %or3A_162 = vector.broadcast %shift_left3A_161 : i32 to vector<1024x1xi32>
      %or3A_163 = arith.ori %scan3A_158, %or3A_162 : vector<1024x1xi32>
      %xor3A_164 = arith.constant 32768 : i32
      %xor3A_165 = vector.broadcast %xor3A_164 : i32 to vector<1024x1xi32>
      %xor3A_166 = arith.xori %or3A_163, %xor3A_165 : vector<1024x1xi32>
      %convert_element_type3A_167 = arith.trunci %xor3A_166 : vector<1024x1xi32> to vector<1024x1xi16>
      %ge3A = vector.broadcast %convert_element_type3A_167 : vector<1024x1xi16> to vector<1024x2048xi16>
      %ge3A_168 = arith.cmpi sge, %xor3A_30, %ge3A : vector<1024x2048xi16>
      %and3A_169 = arith.andi %eq3A_41, %ge3A_168 : vector<1024x2048xi1>
      %jit3A_170 = arith.constant 1 : i16
      %jit3A_171 = arith.constant 0 : i16
      %broadcast_in_dim3A_172 = vector.broadcast %jit3A_170 : i16 to vector<1024x2048xi16>
      %broadcast_in_dim3A_173 = vector.broadcast %jit3A_171 : i16 to vector<1024x2048xi16>
      %select_n3A_174 = arith.select %and3A_169, %broadcast_in_dim3A_172, %broadcast_in_dim3A_173 : vector<1024x2048xi1>, vector<1024x2048xi16>
      %slice3A_175 = vector.extract_strided_slice %select_n3A_174 {offsets = [0, 0], sizes = [1024, 1024], strides = [1, 1]} : vector<1024x2048xi16> to vector<1024x1024xi16>
      %slice3A_176 = vector.extract_strided_slice %select_n3A_174 {offsets = [0, 1024], sizes = [1024, 1024], strides = [1, 1]} : vector<1024x2048xi16> to vector<1024x1024xi16>
      %add3A_177 = arith.addi %slice3A_175, %slice3A_176 : vector<1024x1024xi16>
      %slice3A_178 = vector.extract_strided_slice %add3A_177 {offsets = [0, 0], sizes = [1024, 512], strides = [1, 1]} : vector<1024x1024xi16> to vector<1024x512xi16>
      %slice3A_179 = vector.extract_strided_slice %add3A_177 {offsets = [0, 512], sizes = [1024, 512], strides = [1, 1]} : vector<1024x1024xi16> to vector<1024x512xi16>
      %add3A_180 = arith.addi %slice3A_178, %slice3A_179 : vector<1024x512xi16>
      %slice3A_181 = vector.extract_strided_slice %add3A_180 {offsets = [0, 0], sizes = [1024, 256], strides = [1, 1]} : vector<1024x512xi16> to vector<1024x256xi16>
      %slice3A_182 = vector.extract_strided_slice %add3A_180 {offsets = [0, 256], sizes = [1024, 256], strides = [1, 1]} : vector<1024x512xi16> to vector<1024x256xi16>
      %add3A_183 = arith.addi %slice3A_181, %slice3A_182 : vector<1024x256xi16>
      %convert_element_type3A_184 = arith.extsi %add3A_183 : vector<1024x256xi16> to vector<1024x256xi32>
      %reduce_sum3A_185 = arith.constant dense<0> : vector<1024xi32>
      %reduce_sum3A_186 = vector.multi_reduction <add>, %convert_element_type3A_184, %reduce_sum3A_185 [1] : vector<1024x256xi32> to vector<1024xi32>
      %broadcast_in_dim3A_187 = vector.shape_cast %reduce_sum3A_186 : vector<1024xi32> to vector<1024x1xi32>
      %ge3A_188 = arith.cmpi sge, %broadcast_in_dim3A_187, %sub3A_58 : vector<1024x1xi32>
      %select_n3A_189 = arith.select %ge3A_188, %or3A_163, %scan3A_158 : vector<1024x1xi1>, vector<1024x1xi32>
      scf.yield %select_n3A_189 : vector<1024x1xi32>
    }
    %scan3A_66 = arith.constant 16 : i32
    %xor3A_67 = arith.constant 32768 : i32
    %xor3A_68 = vector.broadcast %xor3A_67 : i32 to vector<1024x1xi32>
    %xor3A_69 = arith.xori %scan3A_65, %xor3A_68 : vector<1024x1xi32>
    %convert_element_type3A_70 = arith.trunci %xor3A_69 : vector<1024x1xi32> to vector<1024x1xi16>
    %gt3A_71 = vector.broadcast %convert_element_type3A_40 : vector<1024x1xi16> to vector<1024x2048xi16>
    %gt3A_72 = arith.cmpi sgt, %convert_element_type3A, %gt3A_71 : vector<1024x2048xi16>
    %gt3A_73 = vector.broadcast %convert_element_type3A_70 : vector<1024x1xi16> to vector<1024x2048xi16>
    %gt3A_74 = arith.cmpi sgt, %xor3A_30, %gt3A_73 : vector<1024x2048xi16>
    %and3A = arith.andi %eq3A_41, %gt3A_74 : vector<1024x2048xi1>
    %or3A = arith.ori %gt3A_72, %and3A : vector<1024x2048xi1>
    %eq3A_75 = vector.broadcast %convert_element_type3A_70 : vector<1024x1xi16> to vector<1024x2048xi16>
    %eq3A_76 = arith.cmpi eq, %xor3A_30, %eq3A_75 : vector<1024x2048xi16>
    %and3A_77 = arith.andi %eq3A_41, %eq3A_76 : vector<1024x2048xi1>
    %jit3A_78 = arith.constant 1 : i16
    %jit3A_79 = arith.constant 0 : i16
    %broadcast_in_dim3A_80 = vector.broadcast %jit3A_78 : i16 to vector<1024x2048xi16>
    %broadcast_in_dim3A_81 = vector.broadcast %jit3A_79 : i16 to vector<1024x2048xi16>
    %select_n3A_82 = arith.select %or3A, %broadcast_in_dim3A_80, %broadcast_in_dim3A_81 : vector<1024x2048xi1>, vector<1024x2048xi16>
    %slice3A_83 = vector.extract_strided_slice %select_n3A_82 {offsets = [0, 0], sizes = [1024, 1024], strides = [1, 1]} : vector<1024x2048xi16> to vector<1024x1024xi16>
    %slice3A_84 = vector.extract_strided_slice %select_n3A_82 {offsets = [0, 1024], sizes = [1024, 1024], strides = [1, 1]} : vector<1024x2048xi16> to vector<1024x1024xi16>
    %add3A_85 = arith.addi %slice3A_83, %slice3A_84 : vector<1024x1024xi16>
    %slice3A_86 = vector.extract_strided_slice %add3A_85 {offsets = [0, 0], sizes = [1024, 512], strides = [1, 1]} : vector<1024x1024xi16> to vector<1024x512xi16>
    %slice3A_87 = vector.extract_strided_slice %add3A_85 {offsets = [0, 512], sizes = [1024, 512], strides = [1, 1]} : vector<1024x1024xi16> to vector<1024x512xi16>
    %add3A_88 = arith.addi %slice3A_86, %slice3A_87 : vector<1024x512xi16>
    %slice3A_89 = vector.extract_strided_slice %add3A_88 {offsets = [0, 0], sizes = [1024, 256], strides = [1, 1]} : vector<1024x512xi16> to vector<1024x256xi16>
    %slice3A_90 = vector.extract_strided_slice %add3A_88 {offsets = [0, 256], sizes = [1024, 256], strides = [1, 1]} : vector<1024x512xi16> to vector<1024x256xi16>
    %add3A_91 = arith.addi %slice3A_89, %slice3A_90 : vector<1024x256xi16>
    %convert_element_type3A_92 = arith.extsi %add3A_91 : vector<1024x256xi16> to vector<1024x256xi32>
    %reduce_sum3A_93 = arith.constant dense<0> : vector<1024xi32>
    %reduce_sum3A_94 = vector.multi_reduction <add>, %convert_element_type3A_92, %reduce_sum3A_93 [1] : vector<1024x256xi32> to vector<1024xi32>
    %broadcast_in_dim3A_95 = vector.shape_cast %reduce_sum3A_94 : vector<1024xi32> to vector<1024x1xi32>
    %jit3A_96 = arith.constant 1 : i16
    %jit3A_97 = arith.constant 0 : i16
    %broadcast_in_dim3A_98 = vector.broadcast %jit3A_96 : i16 to vector<1024x2048xi16>
    %broadcast_in_dim3A_99 = vector.broadcast %jit3A_97 : i16 to vector<1024x2048xi16>
    %select_n3A_100 = arith.select %and3A_77, %broadcast_in_dim3A_98, %broadcast_in_dim3A_99 : vector<1024x2048xi1>, vector<1024x2048xi16>
    %slice3A_101 = vector.extract_strided_slice %select_n3A_100 {offsets = [0, 0], sizes = [1024, 1024], strides = [1, 1]} : vector<1024x2048xi16> to vector<1024x1024xi16>
    %slice3A_102 = vector.extract_strided_slice %select_n3A_100 {offsets = [0, 1024], sizes = [1024, 1024], strides = [1, 1]} : vector<1024x2048xi16> to vector<1024x1024xi16>
    %add3A_103 = arith.addi %slice3A_101, %slice3A_102 : vector<1024x1024xi16>
    %slice3A_104 = vector.extract_strided_slice %add3A_103 {offsets = [0, 0], sizes = [1024, 512], strides = [1, 1]} : vector<1024x1024xi16> to vector<1024x512xi16>
    %slice3A_105 = vector.extract_strided_slice %add3A_103 {offsets = [0, 512], sizes = [1024, 512], strides = [1, 1]} : vector<1024x1024xi16> to vector<1024x512xi16>
    %add3A_106 = arith.addi %slice3A_104, %slice3A_105 : vector<1024x512xi16>
    %slice3A_107 = vector.extract_strided_slice %add3A_106 {offsets = [0, 0], sizes = [1024, 256], strides = [1, 1]} : vector<1024x512xi16> to vector<1024x256xi16>
    %slice3A_108 = vector.extract_strided_slice %add3A_106 {offsets = [0, 256], sizes = [1024, 256], strides = [1, 1]} : vector<1024x512xi16> to vector<1024x256xi16>
    %add3A_109 = arith.addi %slice3A_107, %slice3A_108 : vector<1024x256xi16>
    %convert_element_type3A_110 = arith.extsi %add3A_109 : vector<1024x256xi16> to vector<1024x256xi32>
    %reduce_sum3A_111 = arith.constant dense<0> : vector<1024xi32>
    %reduce_sum3A_112 = vector.multi_reduction <add>, %convert_element_type3A_110, %reduce_sum3A_111 [1] : vector<1024x256xi32> to vector<1024xi32>
    %broadcast_in_dim3A_113 = vector.shape_cast %reduce_sum3A_112 : vector<1024xi32> to vector<1024x1xi32>
    %add3A_114 = arith.addi %broadcast_in_dim3A_95, %broadcast_in_dim3A_113 : vector<1024x1xi32>
    %ne3A = arith.constant 32 : i32
    %ne3A_115 = vector.broadcast %ne3A : i32 to vector<1024x1xi32>
    %ne3A_116 = arith.cmpi ne, %add3A_114, %ne3A_115 : vector<1024x1xi32>
    %reduce_or3A = arith.constant 1.000000e+00 : f32
    %reduce_or3A_117 = arith.constant 0.000000e+00 : f32
    %reduce_or3A_118 = vector.broadcast %reduce_or3A : f32 to vector<1024x1xf32>
    %reduce_or3A_119 = vector.broadcast %reduce_or3A_117 : f32 to vector<1024x1xf32>
    %reduce_or3A_120 = arith.select %ne3A_116, %reduce_or3A_118, %reduce_or3A_119 : vector<1024x1xi1>, vector<1024x1xf32>
    %reduce_or3A_121 = vector.shape_cast %reduce_or3A_120 : vector<1024x1xf32> to vector<1x1024x1xf32>
    %reduce_or3A_122 = arith.constant dense<0xFF800000> : vector<1xf32>
    %reduce_or3A_123 = vector.multi_reduction <maximumf>, %reduce_or3A_121, %reduce_or3A_122 [1, 2] : vector<1x1024x1xf32> to vector<1xf32>
    %reduce_or3A_124 = vector.shape_cast %reduce_or3A_123 : vector<1xf32> to vector<1x1x1xf32>
    %reduce_or3A_125 = vector.extract %reduce_or3A_124[0, 0, 0] : f32 from vector<1x1x1xf32>
    %reduce_or3A_126 = arith.constant 0.000000e+00 : f32
    %reduce_or3A_127 = arith.cmpf ogt, %reduce_or3A_125, %reduce_or3A_126 : f32
    %sub3A_128 = arith.constant 32 : i32
    %sub3A_129 = vector.broadcast %sub3A_128 : i32 to vector<1024x1xi32>
    %sub3A_130 = arith.subi %sub3A_129, %broadcast_in_dim3A_95 : vector<1024x1xi32>
    %iota3A = tpu.iota {dimensions = array<i32: 1>} : vector<1024x2048xi32>
    %convert_element_type3A_131 = arith.extui %reduce_or3A_127 : i1 to i32
    %cond3A = arith.constant 0 : i32
    %cond3A_132 = arith.cmpi ne, %convert_element_type3A_131, %cond3A : i32
    %cond3A_133 = scf.if %cond3A_132 -> (vector<1024x1xi32>) {
      %broadcast_in_dim3A_157 = arith.constant 0 : i32
      %broadcast_in_dim3A_158 = vector.broadcast %broadcast_in_dim3A_157 : i32 to vector<1024x1xi32>
      %scan3A_159 = arith.constant 0 : i32
      %scan3A_160 = arith.constant 12 : i32
      %scan3A_161 = arith.addi %scan3A_159, %scan3A_160 : i32
      %scan3A_162 = arith.constant 1 : i32
      %scan3A_163 = scf.for %scan3A_165 = %scan3A_159 to %scan3A_161 step %scan3A_162 iter_args(%scan3A_166 = %broadcast_in_dim3A_158) -> (vector<1024x1xi32>)  : i32 {
        %sub3A_167 = arith.constant 11 : i32
        %sub3A_168 = arith.subi %sub3A_167, %scan3A_165 : i32
        %shift_left3A = arith.constant 1 : i32
        %shift_left3A_169 = arith.shli %shift_left3A, %sub3A_168 : i32
        %or3A_170 = vector.broadcast %shift_left3A_169 : i32 to vector<1024x1xi32>
        %or3A_171 = arith.ori %scan3A_166, %or3A_170 : vector<1024x1xi32>
        %lt3A_172 = vector.broadcast %or3A_171 : vector<1024x1xi32> to vector<1024x2048xi32>
        %lt3A_173 = arith.cmpi slt, %iota3A, %lt3A_172 : vector<1024x2048xi32>
        %and3A_174 = arith.andi %and3A_77, %lt3A_173 : vector<1024x2048xi1>
        %convert_element_type3A_175 = arith.extui %and3A_174 : vector<1024x2048xi1> to vector<1024x2048xi32>
        %reduce_sum3A_176 = arith.constant dense<0> : vector<1024xi32>
        %reduce_sum3A_177 = vector.multi_reduction <add>, %convert_element_type3A_175, %reduce_sum3A_176 [1] : vector<1024x2048xi32> to vector<1024xi32>
        %broadcast_in_dim3A_178 = vector.shape_cast %reduce_sum3A_177 : vector<1024xi32> to vector<1024x1xi32>
        %le3A = arith.cmpi sle, %broadcast_in_dim3A_178, %sub3A_130 : vector<1024x1xi32>
        %select_n3A_179 = arith.select %le3A, %or3A_171, %scan3A_166 : vector<1024x1xi1>, vector<1024x1xi32>
        scf.yield %select_n3A_179 : vector<1024x1xi32>
      }
      %scan3A_164 = arith.constant 12 : i32
      scf.yield %scan3A_163 : vector<1024x1xi32>
    } else {
      %broadcast_in_dim3A_157 = arith.constant 2048 : i32
      %broadcast_in_dim3A_158 = vector.broadcast %broadcast_in_dim3A_157 : i32 to vector<1024x1xi32>
      scf.yield %broadcast_in_dim3A_158 : vector<1024x1xi32>
    }
    %lt3A_134 = vector.broadcast %cond3A_133 : vector<1024x1xi32> to vector<1024x2048xi32>
    %lt3A_135 = arith.cmpi slt, %iota3A, %lt3A_134 : vector<1024x2048xi32>
    %and3A_136 = arith.andi %and3A_77, %lt3A_135 : vector<1024x2048xi1>
    %or3A_137 = arith.ori %or3A, %and3A_136 : vector<1024x2048xi1>
    %reduce_max3A = arith.constant dense<0xFF800000> : vector<1024xf32>
    %reduce_max3A_138 = vector.multi_reduction <maximumf>, %mul3A_19, %reduce_max3A [1] : vector<1024x2048xf32> to vector<1024xf32>
    %broadcast_in_dim3A_139 = vector.shape_cast %reduce_max3A_138 : vector<1024xf32> to vector<1024x1xf32>
    %sub3A_140 = vector.broadcast %broadcast_in_dim3A_139 : vector<1024x1xf32> to vector<1024x2048xf32>
    %sub3A_141 = arith.subf %mul3A_19, %sub3A_140 : vector<1024x2048xf32>
    %exp3A = math.exp %sub3A_141 : vector<1024x2048xf32>
    %jit3A_142 = arith.constant 0.000000e+00 : f32
    %broadcast_in_dim3A_143 = vector.broadcast %jit3A_142 : f32 to vector<1024x2048xf32>
    %select_n3A_144 = arith.select %or3A_137, %exp3A, %broadcast_in_dim3A_143 : vector<1024x2048xi1>, vector<1024x2048xf32>
    %reduce_sum3A_145 = arith.constant dense<0.000000e+00> : vector<1024xf32>
    %reduce_sum3A_146 = vector.multi_reduction <add>, %select_n3A_144, %reduce_sum3A_145 [1] : vector<1024x2048xf32> to vector<1024xf32>
    %broadcast_in_dim3A_147 = vector.shape_cast %reduce_sum3A_146 : vector<1024xf32> to vector<1024x1xf32>
    %div3A = vector.broadcast %broadcast_in_dim3A_147 : vector<1024x1xf32> to vector<1024x2048xf32>
    %div3A_148 = arith.divf %select_n3A_144, %div3A : vector<1024x2048xf32>
    %dot_general3A_149 = arith.constant dense<0.000000e+00> : vector<1024x64xf32>
    %dot_general3A_150 = tpu.matmul %div3A_148, %get3A_16, %dot_general3A_149 {dimension_numbers = #tpu.dot_dimension_numbers<[1], [0], [0], [1], [0, 0, 1, 1], [], []>, transpose_lhs_hint = false} : vector<1024x2048xf32>, vector<2048x64xf32>, vector<1024x64xf32> -> vector<1024x64xf32>
    %swap3A = arith.constant 0 : index
    %swap3A_151 = arith.constant 0 : index
    %swap3A_152 = arith.constant 0 : index
    %swap3A_153 = arith.constant 0 : index
    %swap3A_154 = vector.load %arg6[%swap3A, %swap3A_151, %swap3A_152, %swap3A_153] : memref<1x1x1024x64xf32, #tpu.memory_space<vmem>>, vector<1x1x1024x64xf32>
    %swap3A_155 = vector.shape_cast %swap3A_154 : vector<1x1x1024x64xf32> to vector<1024x64xf32>
    %swap3A_156 = vector.shape_cast %dot_general3A_150 : vector<1024x64xf32> to vector<1x1x1024x64xf32>
    tpu.vector_store %arg6[%swap3A, %swap3A_151, %swap3A_152, %swap3A_153], %swap3A_156 {strides = array<i32>} : memref<1x1x1024x64xf32, #tpu.memory_space<vmem>>, vector<1x1x1024x64xf32>,
    return
  }
  func.func @transform_0(%arg0: i32, %arg1: i32, %arg2: i32) -> (i32, i32, i32, i32) {
    %c0_i32 = arith.constant 0 : i32
    %c0_i32_0 = arith.constant 0 : i32
    return %arg0, %arg1, %arg2, %c0_i32 : i32, i32, i32, i32
  }
  func.func @transform_1(%arg0: i32, %arg1: i32, %arg2: i32) -> (i32, i32, i32, i32) {
    %c0_i32 = arith.constant 0 : i32
    %c0_i32_0 = arith.constant 0 : i32
    %c0_i32_1 = arith.constant 0 : i32
    return %arg0, %arg1, %c0_i32, %c0_i32_0 : i32, i32, i32, i32
  }
  func.func @transform_2(%arg0: i32, %arg1: i32, %arg2: i32) -> (i32, i32, i32, i32) {
    %c0_i32 = arith.constant 0 : i32
    %c0_i32_0 = arith.constant 0 : i32
    %c0_i32_1 = arith.constant 0 : i32
    return %arg0, %arg1, %c0_i32, %c0_i32_0 : i32, i32, i32, i32
  }
  func.func @transform_3(%arg0: i32, %arg1: i32, %arg2: i32) -> (i32, i32, i32, i32) {
    %c0_i32 = arith.constant 0 : i32
    %c0_i32_0 = arith.constant 0 : i32
    return %arg0, %arg1, %arg2, %c0_i32 : i32, i32, i32, i32
  }
}

module attributes {stable_mosaic.version = 14 : i64} {
  func.func @_matmul_bias_kernel(%arg0: i32, %arg1: i32, %arg2: memref<512x1024xf32, #tpu.memory_space<vmem>>, %arg3: memref<1024x1024xf32, #tpu.memory_space<vmem>>, %arg4: memref<1x1024xf32, #tpu.memory_space<vmem>>, %arg5: memref<512x1024xf32, #tpu.memory_space<vmem>>) attributes {dimension_semantics = [#tpu.dimension_semantics<arbitrary>, #tpu.dimension_semantics<arbitrary>], iteration_bounds = array<i64: 8, 1>, scalar_prefetch = 0 : i64, scratch_operands = 0 : i64, tpu.core_type = #tpu.core_type<tc>, window_params = [{transform_indices = @transform_0, window_bounds = array<i64: 512, 1024>}, {transform_indices = @transform_1, window_bounds = array<i64: 1024, 1024>}, {transform_indices = @transform_2, window_bounds = array<i64: 1, 1024>}, {transform_indices = @transform_3, window_bounds = array<i64: 512, 1024>}]} {
    %get3A = arith.constant 0 : index
    %get3A_0 = arith.constant 0 : index
    %get3A_1 = vector.load %arg2[%get3A, %get3A_0] : memref<512x1024xf32, #tpu.memory_space<vmem>>, vector<512x1024xf32>
    %get3A_2 = arith.constant 0 : index
    %get3A_3 = arith.constant 0 : index
    %get3A_4 = vector.load %arg3[%get3A_2, %get3A_3] : memref<1024x1024xf32, #tpu.memory_space<vmem>>, vector<1024x1024xf32>
    %dot_general3A = arith.constant dense<0.000000e+00> : vector<512x1024xf32>
    %dot_general3A_5 = tpu.matmul %get3A_1, %get3A_4, %dot_general3A {dimension_numbers = #tpu.dot_dimension_numbers<[1], [0], [0], [1], [0, 0, 1, 1], [], []>, transpose_lhs_hint = false} : vector<512x1024xf32>, vector<1024x1024xf32>, vector<512x1024xf32> -> vector<512x1024xf32>
    %get3A_6 = arith.constant 0 : index
    %get3A_7 = arith.constant 0 : index
    %get3A_8 = vector.load %arg4[%get3A_6, %get3A_7] : memref<1x1024xf32, #tpu.memory_space<vmem>>, vector<1x1024xf32>
    %add3A = vector.broadcast %get3A_8 : vector<1x1024xf32> to vector<512x1024xf32>
    %add3A_9 = arith.addf %dot_general3A_5, %add3A : vector<512x1024xf32>
    %swap3A = arith.constant 0 : index
    %swap3A_10 = arith.constant 0 : index
    %swap3A_11 = vector.load %arg5[%swap3A, %swap3A_10] : memref<512x1024xf32, #tpu.memory_space<vmem>>, vector<512x1024xf32>
    tpu.vector_store %arg5[%swap3A, %swap3A_10], %add3A_9 {strides = array<i32>} : memref<512x1024xf32, #tpu.memory_space<vmem>>, vector<512x1024xf32>,
    return
  }
  func.func @transform_0(%arg0: i32, %arg1: i32) -> (i32, i32) {
    %c0_i32 = arith.constant 0 : i32
    %c0_i32_0 = arith.constant 0 : i32
    return %arg0, %c0_i32 : i32, i32
  }
  func.func @transform_1(%arg0: i32, %arg1: i32) -> (i32, i32) {
    %c0_i32 = arith.constant 0 : i32
    %c0_i32_0 = arith.constant 0 : i32
    return %c0_i32, %arg1 : i32, i32
  }
  func.func @transform_2(%arg0: i32, %arg1: i32) -> (i32, i32) {
    %c0_i32 = arith.constant 0 : i32
    %c0_i32_0 = arith.constant 0 : i32
    return %c0_i32, %arg1 : i32, i32
  }
  func.func @transform_3(%arg0: i32, %arg1: i32) -> (i32, i32) {
    %c0_i32 = arith.constant 0 : i32
    return %arg0, %arg1 : i32, i32
  }
}

</mosaic_0001>

<sc_bundles>
// kernel: sparse-core-data-format-call.cloned.1.call-start
scs
called_computation_lowered:
.L_overlay_start_0:
0x0: {  	s1 =	sld [smem:$0x3FD9]  }
0x1: {  	s2 =	sld [smem:$0x3FFE];
	_ =	sdelay $0x1  }
0x2: {  	s3 =	srdreg.scid  }
0x3: {  	s0 =	sand.u32 $0x1, s3  }
0x4: {  	s17 =	sshll.u32 s0, $0xA;
	s1 =	sadd.s32 s2, s1  }
0x5: {  	s1 =	sadd.s32 s1, s17  }
0x6: {  	[smem:$0x3FBF] =	sst s1  }
0x7: {  	_ = 	snop  }
0x8: {  	(tm) =	ssettm $0x1  }
0x9: {  	s18 =	sld [smem:$0x3FFB];
	_ =	sdelay $0x3  }
0xa: {  	_ =	strace s18  }
0xb: {  	s1 =	sld [smem:$0x3FFC];
	_ =	sdelay $0x3  }
0xc: {  	_ =	strace s1  }
0xd: {  	s1 =	sld [smem:$0x3FFD];
	_ =	sdelay $0x3  }
0xe: {  	_ =	strace s1  }
0xf: {  	_ =	strace $0x8FFFFFFF  }
0x10: {  	s19 =	sld [smem:$0x3FDB];
	_ =	sdelay $0x1  }
0x11: {  	s20 =	simm.s32 $_scs_section_size  }
0x12: {  	s4 =	simm.s32 $_size__tile_overlayer_lowered;
	s5 =	simm.s32 $_tile_overlayer_lowered  }
0x13: {  	s23 =	simm.s32 $0x1BFF;
	s22 =	sshll.u32 s5, $0x1;
	s1 =	sadd.s32 s20, s19  }
0x14: {  	s6 =	simm.s32 $0x0;
	s21 =	sshll.u32 s4, $0x1;
	s4 =	sadd.s32 s22, s1  }
0x15: {  	[timem:s6], [sflag:s23] =	dma.local [hbm:s4], s21  }
0x16: {  	_ =	swait.ge [sflag:s23], s21  }
0x17: {  	s2 =	ssub.s32 $0x0, s21;
	[sflag:s23] =	ssyncset.done $0x0  }
0x18: {  	[sflag:s23] =	ssyncadd.s32 s2;
	_ =	sdelay $0x1  }
0x19: {  	s24 =	simm.s32 $0x1B8B  }
0x1a: {  	_ =	swait.ge [sflag:s24], $0x1  }
0x1b: {  	[sflag:s24] =	ssyncset.done $0x0  }
0x1c: {  	s26 =	simm.s32 $0x1B8E;
	s25 =	sld [smem:$0x3FFE];
	[sflag:s24] =	ssyncadd.s32 $0xFFFFFFFF  }
0x1d: {  	s27 =	simm.s32 $execute0_lowered;
	[smem:$0x3FD2] =	sst s26  }
0x1e: {  	s4 =	sshll.u32 s27, $0x1;
	_ =	strace $0x80000046;
	[dreg:$0x1] =	wrdreg $0xFFFFFFFF  }
0x1f: {  	s28 =	simm.s32 $_size_execute0_lowered;
	s1 =	sadd.s32 s1, s4;
	[dreg:$0x0] =	wrdreg $0x0  }
0x20: {  	s4 =	sshll.u32 s28, $0x1;
	[dreg:$0x2] =	wrdreg s1  }
0x21: {  	[dreg:$0x3] =	wrdreg s4  }
0x22: {  	[dreg:$0x4] =	wrdreg $0xC0  }
0x23: {  	_ =	task [dreg:s6], $0x5FFFF  }
0x24: {  	[dreg:$0x1] =	wrdreg $0xFFFFFFFF  }
0x25: {  	[dreg:$0x0] =	wrdreg $0x60  }
0x26: {  	[dreg:$0x2] =	wrdreg s25  }
0x27: {  	[dreg:$0x3] =	wrdreg $0x9  }
0x28: {  	_ =	task.clear_ibuf [dreg:s6], $0x4FFFF;
	_ =	strace $0x90000046  }
0x29: {  	s29 =	simm.s32 $0x9;
	_ =	strace $0x80000048  }
0x2a: {  	_ =	swait.ge [sflag:s29], $0x1  }
0x2b: {  	[sflag:s29] =	ssyncadd.s32 $0xFFFFFFFF  }
0x2c: {  	_ =	strace $0x90000048  }
0x2d: {  	_ =	sfence  }
0x2e: {  	s30 =	sld [smem:$0x0];
	_ =	sdelay $0x2  }
0x2f: {  	s31 =	sshll.u32 s3, $0xD;
	s3 =	sshrl.u32 s3, $0x2  }
0x30: {  	s2 =	sand.u32 $0x4000, s31;
	s1 =	sadd.s32 s3, s30  }
0x31: {  	s0 =	sor.u32 s2, s0;
	s1 =	sshll.u32 s1, $0x11  }
0x32: {  	s0 =	sor.u32 s1, s0  }
0x33: {  	s0 =	sadd.s32 $0x8F2B, s0  }
0x34: {  	[sflag:s0] =	ssyncadd.remote.s32 $0x1  }
0x35: {  	_ =	sfence.sel $0xFFFF  }
0x36: {  	[dreg:$0x0] =	wrdreg $0xFFFFFFFF;
	(pc) =	sbr.abs _section_cstart, $3  }
0x37: {  	[dreg:$0x1] =	wrdreg $0xFFFFFFFF  }
0x38: {  	_ =	task.clear_ibuf [dreg:s6], $0x2FFFF;
	_ =	strace $0x9FFFFFFF  }
0x39: {  	(tm) =	ssettm $0x7FFFFFFF  }
tec
execute0_lowered:
.L_overlay_start_1:
0x0: {  	(tag) =	ssettag $0x1  }
0x1: {  	s0 =	stileid.u32  }
0x2: {  	s2 =	srdreg.scid;
	s31 =	rddreg [dreg:$0x0];
	s9 =	simm.s32 $0x2  }
0x3: {  	s18 =	simm.s32 $0x0;
	s10 =	simm.s32 $0x40;
	s11 =	simm.s32 $0x80  }
0x4: {  	s1 =	sand.u32 $0x1, s0;
	s3 =	sshll.u32 s0, $0x7;
	s2 =	sand.u32 $0x1, s2  }
0x5: {  	s4 =	ssub.s32 $0x2, s1;
	s3 =	sand.u32 $0x700, s3;
	s7 =	ssub.s32 $0x10, s2  }
0x6: {  	s5 =	sshrl.u32 s4, $0x1;
	s4 =	sand.u32 $0x1, s4;
	s6 =	ssub.s32 $0x800, s3  }
0x7: {  	s8 =	sshrl.u32 s7, $0x1;
	s4 =	sadd.s32 s4, s5;
	s30 =	sand.u32 $0x700, s6  }
0x8: {  	s5 =	simm.s32 $0x1;
	s7 =	ssub.s32 s7, s8;
	p0 =	sne.s32 s30, $0x0  }
0x9: {  	s6 =	sshrl.u32 s6, $0xB;
	s4 =	smul.u32 s7, s4;
	s5 =	simm.s32 @!p0 $0x0  }
0xa: {  	s12 =	simm.s32 $0x0;
	s19 =	simm.s32 $0x0;
	s5 =	sadd.s32 s5, s6  }
0xb: {  	s20 =	simm.s32 $0x0;
	s21 =	simm.s32 $0x0;
	s6 =	smul.u32 s5, s4  }
.Ltmp0:
0xc: {  	s14 =	simm.s32 $0x0;
	s17 =	simm.s32 $0x0;
	(pc) =	sbr.rel .LBB1_1-.Ltmp0, $4  }
0xd: {  	s13 =	smov.u32 s2;
	s16 =	smov.u32 s1;
	s4 =	rddreg [dreg:$0x1]  }
0xe: {  	_ =	strace $0x80000047;
	s5 =	simm.s32 $0x1;
	s6 =	smul.u32 $0x3, s6  }
0xf: {  	s15 =	smov.u32 s3;
	s8 =	sadd.s32 $0x480A00, s31;
	[sflag:s5] =	ssyncpa.u1 $0x0  }
0x10: {  	s7 =	sadd.s32 $0x180A00, s31;
	[sflag:s9] =	ssyncpa.u1 $0x0;
	s9 =	sadd.s32 $0x1, s6  }
.LBB1_4:
0x11: {  	_ =	sdelay $0x2  }
0x12: {  	s21 =	sshll.u32 s21, $0x13  }
0x13: {  	[tilespmem:v0+s22+$0x10 ss:$0x1] =	vst.idx.msk $0xffff, v5;
	s19 =	sshll.u32 s19, $0x14;
	s20 =	sshll.u32 s20, $0x4;
	s21 =	sadd.s32 s8, s21  }
0x14: {  	[tilespmem:v0+s22+$0xFFFFFFE0 ss:$0x1] =	vst.idx.msk $0xffff, v2;
	s20 =	sand.u32 $0x7FF0, s20;
	s19 =	sadd.s32 s19, s21  }
0x15: {  	[tilespmem:v0+s22+$0xFFFFFFF0 ss:$0x1] =	vst.idx.msk $0xffff, v3;
	s18 =	sshll.u32 s18, $0xF;
	s19 =	sadd.s32 s20, s19  }
0x16: {  	[tilespmem:v0+s22+$0x0 ss:$0x1] =	vst.idx.msk $0xffff, v4;
	s18 =	sadd.s32 s18, s19  }
0x17: {  	[hbm4b:s18+s10] =	stream.strided.scatter [tilespmem:s23], [sflag:$0x2], $0x4000, s11, s10, $0x38;
	[tilespmem:$0x10000] =	vst v63  }
.LBB1_5:
0x18: {  	s22 =	sadd.s32 $0x2, s13  }
0x19: {  	s18 =	simm.s32 $0x1;
	p1 =	sgt.s32 s22, $0xF  }
0x1a: {  	s18 =	simm.s32 @!p1 $0x0  }
0x1b: {  	s23 =	sadd.s32 s18, s14  }
0x1c: {  	s24 =	smov.u32 s15;
	s18 =	sadd.s32 $0x800, s15;
	p2 =	sgt.s32 s23, $0x2  }
0x1d: {  	s24 =	smov.u32 @p2 s18  }
0x1e: {  	s25 =	smov.u32 s16;
	s18 =	sadd.s32 $0x2, s16;
	p3 =	sgt.s32 s24, $0x7FF  }
0x1f: {  	p0 =	slt.u32 s17, $0x2;
	s25 =	smov.u32 @p3 s18  }
0x20: {  	s19 =	smov.u32 s14;
	s22 =	smov.u32 @p1 s2;
	p1 =	sgt.s32 s25, $0x1  }
0x21: {  	s26 =	simm.s32 @!p0 $0x2;
	s25 =	smov.u32 @p1 s1;
	p1 =	sne.s32 s17, s9  }
.Ltmp1:
0x22: {  	s20 =	smov.u32 s15;
	_ =	swait.ge @!p0 [sflag:s26], $0x4000;
	(pc) =	sbr.rel @!p1 .LBB1_6-.Ltmp1, $4  }
0x23: {  	s21 =	smov.u32 s16;
	[sflag:s26] =	ssyncset.done @!p0 $0x0;
	s23 =	simm.s32 @p2 $0x0  }
0x24: {  	s12 =	sadd.s32 $0x4000, s12;
	[sflag:s26] =	ssyncadd.s32 @!p0 $0xFFFFC000;
	s14 =	smov.u32 s23  }
0x25: {  	s24 =	smov.u32 @p3 s3;
	s18 =	smov.u32 s13;
	s13 =	smov.u32 s22  }
0x26: {  	s15 =	smov.u32 s24;
	s17 =	sadd.s32 $0x1, s17;
	s16 =	smov.u32 s25  }
.LBB1_1:
0x27: {  	p0 =	sge.u32 s17, s6  }
0x28: {  	s22 =	smul.u32 @!p0 $0x180000, s16  }
0x29: {  	s31 =	sadd.s32 $0xFFFFFFFF, s17;
	s24 =	smul.u32 @!p0 $0x300, s15  }
0x2a: {  	s23 =	sxor.u32 @!p0 $0xFFFFFFFF, s17;
	s25 =	sshll.u32 @!p0 s14, $0x8;
	s22 =	sadd.s32 @!p0 s7, s22  }
0x2b: {  	s26 =	sshll.u32 @!p0 s13, $0x4;
	s23 =	sshll.u32 @!p0 s23, $0xE;
	s22 =	sadd.s32 @!p0 s24, s22  }
0x2c: {  	s23 =	sand.u32 @!p0 $0x4000, s23;
	s24 =	sand.u32 @!p0 $0xF0, s26;
	s22 =	sadd.s32 @!p0 s25, s22  }
0x2d: {  	s25 =	simm.s32 @!p0 $0x1800;
	s22 =	sadd.s32 @!p0 s24, s22;
	s24 =	simm.s32 @!p0 $0x40  }
0x2e: {  	[tilespmem:s23], [sflag:$0x1] =	stream.strided.gather @!p0 [hbm4b:s22+s24], $0x4000, s25, s24, $0x38;
	[tilespmem:$0x10000] =	vst v63  }
0x2f: {  	p0 =	sge.u32 s31, s6  }
.Ltmp2:
0x30: {  	_ = 	snop;
	(pc) =	sbr.rel @p0 .LBB1_5-.Ltmp2, $1  }
0x31: {  	_ =	sdelay $0x3  }
0x32: {  	s23 =	sand.u32 $0x4000, s12  }
0x33: {  	v1 =	vmov s23;
	_ =	sdelay $0x1  }
0x34: {  	_ =	swait.ge [sflag:s5], $0x4000  }
0x35: {  	[sflag:s5] =	ssyncset.done $0x0  }
0x36: {  	s22 =	simm.s32 $0x0;
	[sflag:s5] =	ssyncadd.s32 $0xFFFFC000  }
0x37: {  	s25 =	sor.u32 $0x8020, s23;
	v5 =	vld.idx.msk [tilespmem:v1+s22+$0x30 ss:$0x1], $0xffff  }
0x38: {  	s24 =	sshll.u32 s17, $0xE;
	v0 =	vmov s25;
	v2 =	vld.idx.msk [tilespmem:v1+s22+$0x0 ss:$0x1], $0xffff  }
0x39: {  	s31 =	sand.u32 $0x4000, s24;
	v3 =	vld.idx.msk [tilespmem:v1+s22+$0x10 ss:$0x1], $0xffff  }
0x3a: {  	s24 =	simm.s32 $0x100;
	s23 =	sor.u32 $0x8000, s31;
	v4 =	vld.idx.msk [tilespmem:v1+s22+$0x20 ss:$0x1], $0xffff  }
.LBB1_3:
0x3b: {  	p0 =	sne.s32 s24, $0xFF00  }
.Ltmp3:
0x3c: {  	s25 =	sshra.s32 s24, $0x2;
	s24 =	sadd.s32 $0x100, s24;
	(pc) =	sbr.rel @p0 .LBB1_3-.Ltmp3, $4  }
0x3d: {  	[tilespmem:v0+s22+$0x10 ss:$0x1] =	vst.idx.msk $0xffff, v5;
	v5 =	vld.idx.msk [tilespmem:v1+s25+$0x30 ss:$0x1], $0xffff  }
0x3e: {  	[tilespmem:v0+s22+$0xFFFFFFE0 ss:$0x1] =	vst.idx.msk $0xffff, v2;
	v2 =	vld.idx.msk [tilespmem:v1+s25+$0x0 ss:$0x1], $0xffff  }
0x3f: {  	[tilespmem:v0+s22+$0xFFFFFFF0 ss:$0x1] =	vst.idx.msk $0xffff, v3;
	v3 =	vld.idx.msk [tilespmem:v1+s25+$0x10 ss:$0x1], $0xffff  }
0x40: {  	[tilespmem:v0+s22+$0x0 ss:$0x1] =	vst.idx.msk $0xffff, v4;
	v4 =	vld.idx.msk [tilespmem:v1+s25+$0x20 ss:$0x1], $0xffff;
	s22 =	smov.u32 s25  }
.Ltmp4:
0x41: {  	_ = 	snop;
	(pc) =	sbr.rel .LBB1_4-.Ltmp4, $1  }
0x42: {  	_ =	sdelay $0x3  }
.LBB1_6:
0x43: {  	_ =	sfence.sel $0x180000  }
0x44: {  	s1 =	simm.s32 $0x1;
	[bflag:$0x0] =	sbarrier.arrive $0xFFFF  }
0x45: {  	s31 =	simm.s32 $0x2;
	[sflag:s1] =	ssyncpa.u1 $0x1  }
0x46: {  	[sflag:s31] =	ssyncpa.u1 $0x1  }
0x47: {  	p0 =	sne.s32 s0, $0x0;
	_ =	strace $0x90000047  }
0x48: {  	s0 =	sadd.s32 @!p0 $0x100000, s4;
	[bflag:$0x2] =	sbarrier.arrive $0xFFFF  }
0x49: {  	[sflag:s0] =	ssyncadd.tile.s32 @!p0 $0x1;
	_ =	shalt  }
.Lfunc_end1:
_tile_overlayer_lowered:
.L_overlay_start_2:
0x4a: {  	(tag) =	ssettag $0x2  }
0x4b: {  	s0 =	rddreg [dreg:$0x0];
	s2 =	stileid.u32  }
0x4c: {  	s1 =	rddreg [dreg:$0x1];
	p0 =	sne.s32 s2, $0x0  }
0x4d: {  	s3 =	rddreg [dreg:$0x2];
	[bflag:$0x3] =	sbarrier.arrive $0xFFFF;
	s2 =	simm.s32 @!p0 $0x1C01  }
0x4e: {  	[timem:s3], [sflag:s2] =	dma.local @!p0 [hbm:s0], s1  }
0x4f: {  	s0 =	simm.s32 @!p0 $0x1  }
0x50: {  	_ =	swait.ge @!p0 [sflag:s0], s1  }
0x51: {  	s1 =	ssub.s32 @!p0 $0x0, s1;
	[sflag:s0] =	ssyncset.done @!p0 $0x0  }
0x52: {  	[sflag:s0] =	ssyncadd.s32 @!p0 s1  }
0x53: {  	[bflag:$0x3] =	sbarrier.arrive $0xFFFF  }
0x54: {  	_ =	shalt  }

</sc_bundles>
